<compile_context>
chip_gen: v7x
topology: tpu7x:2x2x1
jax: 0.10.2.dev20260603
libtpu: 0.0.44.dev20260713+nightly
codegen_flags: <defaults>
</compile_context>

<pallas_src>
import functools

import jax
import jax.numpy as jnp
from jax import lax
from jax.experimental import pallas as pl
from jax.experimental.pallas import tpu as pltpu
from jax.experimental.pallas import tpu_sc as plsc

_LANES = 16


def _build_sc_kernel(b: int, s: int, n_idx: int):
    n_flat = b * s
    num_cores, num_subcores = 1, 8
    n_workers = num_cores * num_subcores
    per_worker = n_flat // n_workers
    slices_per_row = s // per_worker

    mesh = plsc.VectorSubcoreMesh(
        core_axis_name="c", subcore_axis_name="s",
        num_cores=num_cores, num_subcores=num_subcores,
    )

    @functools.partial(
        pl.kernel,
        mesh=mesh,
        out_type=jax.ShapeDtypeStruct((b, s), jnp.int32),
        scratch_types=[
            pltpu.VMEM((n_idx,), jnp.int32),
            pltpu.VMEM((per_worker,), jnp.int32),
            pltpu.SemaphoreType.DMA,
        ],
        compiler_params=pltpu.CompilerParams(
            needs_layout_passes=False,
            skip_device_barrier=True,
            disable_bounds_checks=True,
            disable_semaphore_checks=True,
        ),
    )
    def sc_kern(idx_hbm, out_hbm, idx_v, buf_v, sem):
        wid = lax.axis_index("s") * num_cores + lax.axis_index("c")
        base = wid * per_worker

        idx_copy = pltpu.async_copy(idx_hbm, idx_v, sem)

        zeros = jnp.zeros((_LANES,), jnp.int32)
        ones = jnp.ones((_LANES,), jnp.int32)

        @plsc.parallel_loop(0, per_worker // _LANES, unroll=8)
        def _zero(i):
            buf_v[pl.ds(i * _LANES, _LANES)] = zeros

        idx_copy.wait()

        @plsc.parallel_loop(0, n_idx // _LANES, unroll=8)
        def _scatter(i):
            v = idx_v[pl.ds(i * _LANES, _LANES)]
            off = v - base
            in_range = off.astype(jnp.uint32) < jnp.uint32(per_worker)
            plsc.store_scatter(
                buf_v, [off & (per_worker - 1)], ones, mask=in_range
            )

        row = wid // slices_per_row
        col = (wid % slices_per_row) * per_worker
        pltpu.sync_copy(buf_v, out_hbm.at[row, pl.ds(col, per_worker)])

    return sc_kern


def kernel(vision_indices, reference_tensor):
    b, s = reference_tensor.shape[0], reference_tensor.shape[1]
    idx32 = vision_indices.astype(jnp.int32)
    mask = _build_sc_kernel(b, s, idx32.shape[0])(idx32)
    return mask.astype(bool)

# --- scband reference (transcript-rebuilt; emitter-appended) ---
"""Pipeline reference for scband-qwen3-omni-visual-pos-mask-738734375610 (READ-ONLY COPY).

The authoritative reference and input builder live on the scoring server;
editing this copy changes nothing except your own understanding.
"""

import jax, jax.numpy as jnp
import numpy as np


def setup_inputs(seed: int = 0) -> dict:
    key = jax.random.key(seed)
    k1, k2 = jax.random.split(key)
    vision_indices = jax.random.randint(k1, (8192,), 0, 32768, dtype=jnp.int64)
    reference_tensor = jax.random.normal(k2, (4, 8192, 1024), dtype=jnp.float32)
    return {"vision_indices": vision_indices, "reference_tensor": reference_tensor}


def reference(vision_indices, reference_tensor):
    # flat = zeros int32 of shape (batch*seq,)
    B = reference_tensor.shape[0]
    S = reference_tensor.shape[1]
    flat = jnp.zeros_like(reference_tensor[..., 0]).astype(jnp.int32).reshape(-1)
    idx = vision_indices.astype(jnp.int32).reshape(-1)
    # scatter_update: overwrite positions idx with ones
    flat = flat.at[idx].set(jnp.ones_like(idx, dtype=jnp.int32))
    return flat.reshape(B, S).astype(bool)

if __name__ == "__main__":
    import jax
    _d = setup_inputs()
    print(jax.jit(kernel)(*tuple(_d.values())))

</pallas_src>

<mosaic_0001>
#map = affine_map<(d0, d1) -> (0)>
#map1 = affine_map<(d0, d1) -> (0, 0)>
module attributes {stable_mosaic.version = 14 : i64} {
  func.func @sc_kern(%arg0: i32, %arg1: i32, %arg2: memref<8192xi32, #tpu.memory_space<hbm>>, %arg3: memref<4x8192xi32, #tpu.memory_space<hbm>>, %arg4: memref<8192xi32, #tpu.memory_space<vmem>>, %arg5: memref<4096xi32, #tpu.memory_space<vmem>>, %arg6: memref<!tpu.dma_semaphore, #tpu.memory_space<semaphore_mem>>) attributes {dimension_semantics = [#tpu.dimension_semantics<core_parallel>, #tpu.dimension_semantics<subcore_parallel>], iteration_bounds = array<i64: 1, 8>, scalar_prefetch = 0 : i64, scratch_operands = 3 : i64, tpu.core_type = #tpu.core_type<sc_vector_subcore>, window_params = [{transform_indices = #map}, {transform_indices = #map1}]} {
    %mul3A = arith.constant 1 : i32
    %mul3A_0 = arith.muli %arg1, %mul3A : i32
    %add3A = arith.addi %mul3A_0, %arg0 : i32
    %mul3A_1 = arith.constant 4096 : i32
    %mul3A_2 = arith.muli %add3A, %mul3A_1 : i32
    tpu.enqueue_dma source(%arg2 : memref<8192xi32, #tpu.memory_space<hbm>>) target(%arg4 : memref<8192xi32, #tpu.memory_space<vmem>>) target_semaphore(%arg6 : memref<!tpu.dma_semaphore, #tpu.memory_space<semaphore_mem>>)
    %broadcast_in_dim3A = arith.constant 0 : i32
    %broadcast_in_dim3A_3 = vector.broadcast %broadcast_in_dim3A : i32 to vector<16xi32>
    %broadcast_in_dim3A_4 = arith.constant 1 : i32
    %broadcast_in_dim3A_5 = vector.broadcast %broadcast_in_dim3A_4 : i32 to vector<16xi32>
    %parallel_loop3A = arith.constant 0 : i32
    %parallel_loop3A_6 = arith.constant 256 : i32
    %parallel_loop3A_7 = arith.constant 1 : i32
    scf.for %parallel_loop3A_43 = %parallel_loop3A to %parallel_loop3A_6 step %parallel_loop3A_7  : i32 {
      %parallel_loop3A_44 = arith.constant 16 : i32
      %parallel_loop3A_45 = arith.muli %parallel_loop3A_43, %parallel_loop3A_44 : i32
      %parallel_loop3A_46 = arith.index_cast %parallel_loop3A_45 : i32 to index
      %parallel_loop3A_47 = tpu.vector_load %arg5[%parallel_loop3A_46] {strides = array<i32>} : memref<4096xi32, #tpu.memory_space<vmem>>, vector<16xi32>,
      tpu.vector_store %arg5[%parallel_loop3A_46], %broadcast_in_dim3A_3 {strides = array<i32>} : memref<4096xi32, #tpu.memory_space<vmem>>, vector<16xi32>,
    } {sc.loop_unroll_factor = 8 : i64, sc.parallel_access}
    tpu.wait_dma2 semaphore(%arg6 : memref<!tpu.dma_semaphore, #tpu.memory_space<semaphore_mem>>) src(%arg2 : memref<8192xi32, #tpu.memory_space<hbm>>) dst(%arg4 : memref<8192xi32, #tpu.memory_space<vmem>>)
    %parallel_loop3A_8 = arith.constant 0 : i32
    %parallel_loop3A_9 = arith.constant 512 : i32
    %parallel_loop3A_10 = arith.constant 1 : i32
    scf.for %parallel_loop3A_43 = %parallel_loop3A_8 to %parallel_loop3A_9 step %parallel_loop3A_10  : i32 {
      %parallel_loop3A_44 = arith.constant 16 : i32
      %parallel_loop3A_45 = arith.muli %parallel_loop3A_43, %parallel_loop3A_44 : i32
      %parallel_loop3A_46 = arith.index_cast %parallel_loop3A_45 : i32 to index
      %parallel_loop3A_47 = tpu.vector_load %arg4[%parallel_loop3A_46] {strides = array<i32>} : memref<8192xi32, #tpu.memory_space<vmem>>, vector<16xi32>,
      %parallel_loop3A_48 = vector.broadcast %mul3A_2 : i32 to vector<16xi32>
      %parallel_loop3A_49 = arith.subi %parallel_loop3A_47, %parallel_loop3A_48 : vector<16xi32>
      %parallel_loop3A_50 = arith.constant 4096 : i32
      %parallel_loop3A_51 = vector.broadcast %parallel_loop3A_50 : i32 to vector<16xi32>
      %parallel_loop3A_52 = arith.cmpi ult, %parallel_loop3A_49, %parallel_loop3A_51 : vector<16xi32>
      %parallel_loop3A_53 = arith.constant 4095 : i32
      %parallel_loop3A_54 = vector.broadcast %parallel_loop3A_53 : i32 to vector<16xi32>
      %parallel_loop3A_55 = arith.andi %parallel_loop3A_49, %parallel_loop3A_54 : vector<16xi32>
      tpu.vector_store_idx %arg5[%parallel_loop3A_55], %broadcast_in_dim3A_5 masked %parallel_loop3A_52 : memref<4096xi32, #tpu.memory_space<vmem>>[vector<16xi32>], vector<16xi32>, vector<16xi1>
    } {sc.loop_unroll_factor = 8 : i64, sc.parallel_access}
    %jit3A = arith.constant 2 : i32
    %div3A = arith.divsi %add3A, %jit3A : i32
    %sign3A = arith.constant 0 : i32
    %sign3A_11 = arith.cmpi sgt, %add3A, %sign3A : i32
    %sign3A_12 = arith.extui %sign3A_11 : i1 to i32
    %sign3A_13 = arith.constant 0 : i32
    %sign3A_14 = arith.cmpi slt, %add3A, %sign3A_13 : i32
    %sign3A_15 = arith.extui %sign3A_14 : i1 to i32
    %sign3A_16 = arith.subi %sign3A_12, %sign3A_15 : i32
    %sign3A_17 = arith.constant 0 : i32
    %sign3A_18 = arith.cmpi sgt, %jit3A, %sign3A_17 : i32
    %sign3A_19 = arith.extui %sign3A_18 : i1 to i32
    %sign3A_20 = arith.constant 0 : i32
    %sign3A_21 = arith.cmpi slt, %jit3A, %sign3A_20 : i32
    %sign3A_22 = arith.extui %sign3A_21 : i1 to i32
    %sign3A_23 = arith.subi %sign3A_19, %sign3A_22 : i32
    %ne3A = arith.cmpi ne, %sign3A_16, %sign3A_23 : i32
    %rem3A = arith.remsi %add3A, %jit3A : i32
    %ne3A_24 = arith.constant 0 : i32
    %ne3A_25 = arith.cmpi ne, %rem3A, %ne3A_24 : i32
    %and3A = arith.andi %ne3A, %ne3A_25 : i1
    %sub3A = arith.constant 1 : i32
    %sub3A_26 = arith.subi %div3A, %sub3A : i32
    %select_n3A = arith.select %and3A, %sub3A_26, %div3A : i32
    %jit3A_27 = arith.constant 2 : i32
    %eq3A = arith.constant 0 : i32
    %eq3A_28 = arith.cmpi eq, %jit3A_27, %eq3A : i32
    %jit3A_29 = arith.constant 1 : i32
    %select_n3A_30 = arith.select %eq3A_28, %jit3A_29, %jit3A_27 : i32
    %rem3A_31 = arith.remsi %add3A, %select_n3A_30 : i32
    %ne3A_32 = arith.constant 0 : i32
    %ne3A_33 = arith.cmpi ne, %rem3A_31, %ne3A_32 : i32
    %lt3A = arith.constant 0 : i32
    %lt3A_34 = arith.cmpi slt, %rem3A_31, %lt3A : i32
    %lt3A_35 = arith.constant 0 : i32
    %lt3A_36 = arith.cmpi slt, %select_n3A_30, %lt3A_35 : i32
    %ne3A_37 = arith.xori %lt3A_34, %lt3A_36 : i1
    %and3A_38 = arith.andi %ne3A_37, %ne3A_33 : i1
    %add3A_39 = arith.addi %rem3A_31, %select_n3A_30 : i32
    %select_n3A_40 = arith.select %and3A_38, %add3A_39, %rem3A_31 : i32
    %mul3A_41 = arith.constant 4096 : i32
    %mul3A_42 = arith.muli %select_n3A_40, %mul3A_41 : i32
    "tpu.region"() ({
      %run_scoped3A = tpu.sem_alloc : memref<!tpu.dma_semaphore, #tpu.memory_space<semaphore_mem>>
      %dma_start3A = tpu.memref_slice %arg3[%select_n3A, %mul3A_42] : memref<4x8192xi32, #tpu.memory_space<hbm>> -> memref<1x4096xi32, #tpu.memory_space<hbm>>
      %dma_start3A_43 = tpu.memref_squeeze %dma_start3A : memref<1x4096xi32, #tpu.memory_space<hbm>> -> memref<4096xi32, #tpu.memory_space<hbm>>
      %dma_start3A_44 = tpu.memref_slice %arg3[%select_n3A, %mul3A_42] : memref<4x8192xi32, #tpu.memory_space<hbm>> -> memref<1x4096xi32, #tpu.memory_space<hbm>>
      %dma_start3A_45 = tpu.memref_squeeze %dma_start3A_44 : memref<1x4096xi32, #tpu.memory_space<hbm>> -> memref<4096xi32, #tpu.memory_space<hbm>>
      tpu.enqueue_dma source(%arg5 : memref<4096xi32, #tpu.memory_space<vmem>>) target(%dma_start3A_45 : memref<4096xi32, #tpu.memory_space<hbm>>) target_semaphore(%run_scoped3A : memref<!tpu.dma_semaphore, #tpu.memory_space<semaphore_mem>>)
      %dma_wait3A = tpu.memref_slice %arg3[%select_n3A, %mul3A_42] : memref<4x8192xi32, #tpu.memory_space<hbm>> -> memref<1x4096xi32, #tpu.memory_space<hbm>>
      %dma_wait3A_46 = tpu.memref_squeeze %dma_wait3A : memref<1x4096xi32, #tpu.memory_space<hbm>> -> memref<4096xi32, #tpu.memory_space<hbm>>
      %dma_wait3A_47 = tpu.memref_slice %arg3[%select_n3A, %mul3A_42] : memref<4x8192xi32, #tpu.memory_space<hbm>> -> memref<1x4096xi32, #tpu.memory_space<hbm>>
      %dma_wait3A_48 = tpu.memref_squeeze %dma_wait3A_47 : memref<1x4096xi32, #tpu.memory_space<hbm>> -> memref<4096xi32, #tpu.memory_space<hbm>>
      tpu.wait_dma2 semaphore(%run_scoped3A : memref<!tpu.dma_semaphore, #tpu.memory_space<semaphore_mem>>) src(%arg5 : memref<4096xi32, #tpu.memory_space<vmem>>) dst(%dma_wait3A_48 : memref<4096xi32, #tpu.memory_space<hbm>>)
      tpu.yield
    }) : () -> ()
    return
  }
}

</mosaic_0001>

<sc_bundles>
// kernel: kernel.3.cloned.1.call-start
scs
__scs_entry_jumppad:
0x0: {  	(pc) =	sbr.rel $0x88, $3  }
0x1: {  	(tag) =	ssettag $0x0;
	lr =	simm.s32 $0x1  }
0x2: {  	[smem:$0x3FA0] =	sst lr;
	_ =	strace $0xD0000000  }
0x3: {  	_ = 	snop  }
0x4: {  	_ = 	snop  }
0x5: {  	_ = 	snop  }
0x6: {  	_ = 	snop  }
0x7: {  	_ = 	snop  }
__scs_overlays_trampoline_lowered:
0x8: {  	[smem:$0x3FAF] =	sst s0  }
0x9: {  	[smem:$0x3FB0] =	sst s1  }
0xa: {  	[smem:$0x3FB1] =	sst s2  }
0xb: {  	[smem:$0x3FB2] =	sst s3  }
0xc: {  	[smem:$0x3FB3] =	sst s4  }
0xd: {  	[smem:$0x3FB4] =	sst s5  }
0xe: {  	[smem:$0x3FB5] =	sst s6  }
0xf: {  	[smem:$0x3FB6] =	sst s7  }
0x10: {  	[smem:$0x3FB7] =	sst s8  }
0x11: {  	[smem:$0x3FB8] =	sst s9;
	s0 =	simm.s32 @!p0 $0x0  }
0x12: {  	s1 =	sld [smem:$0x3F9E];
	s0 =	simm.s32 @p0 $0x1  }
0x13: {  	[smem:$0x3FB9] =	sst s0;
	s0 =	simm.s32 @!p1 $0x0  }
0x14: {  	s2 =	sld [smem:$0x3F9D];
	s0 =	simm.s32 @p1 $0x1  }
0x15: {  	[smem:$0x3FBA] =	sst s0;
	s0 =	simm.s32 @!p2 $0x0  }
0x16: {  	s3 =	sld [smem:$0x3FDB];
	s0 =	simm.s32 @p2 $0x1  }
0x17: {  	s4 =	simm.s32 $0x1BF5;
	[smem:$0x3FBC] =	sst s0  }
0x18: {  	s0 =	sld [smem:$0x3F9F];
	_ =	swait.ge [sflag:s4], $0x0  }
0x19: {  	s7 =	sld [smem:$0x3FA0]  }
0x1a: {  	s8 =	sadd.s32 $0xFFFFE003, lr  }
0x1b: {  	s9 =	sadd.s32 $0xFFFFFEF7, lr;
	s5 =	simm.s32 $0xFFFFFFFF;
	p2 =	slt.u32 s8, $0xFFFFF086  }
0x1c: {  	p1 =	slt.u32 s9, $0xF7A;
	s5 =	simm.s32 @!p2 $0x0  }
0x1d: {  	s5 =	simm.s32 @p1 $0x1;
	p0 =	seq.s32 s7, s2  }
0x1e: {  	s7 =	smul.u32 @!p0 $0xF7A, s2;
	p2 =	seq.s32 @!p0 s5, $0x0  }
0x1f: {  	s9 =	smul.u32 $0xF7A, s1;
	s8 =	simm.s32 @!p0 $0x1BF5;
	p2 =	por !p2, p0  }
0x20: {  	[sflag:s8] =	ssyncset.s32 @!p0 $0xFFFFF086;
	s6 =	sadd.s32 @!p0 s3, s7;
	s7 =	simm.s32 @!p0 $0x108  }
0x21: {  	s3 =	sadd.s32 s3, s9;
	s6 =	sadd.s32 @!p0 $0x88, s6;
	s7 =	simm.s32 @p2 $0x1082  }
0x22: {  	[simem:s7], [sflag:s8] =	dma.local @!p0 [hbm:s6], $0xF7A  }
0x23: {  	s9 =	sor.u32 $0xD0000000, s2;
	s6 =	simm.s32 $0x108;
	_ =	swait.ge @!p0 [sflag:s8], $0x0  }
0x24: {  	s3 =	sadd.s32 $0x88, s3;
	s6 =	simm.s32 @!p1 $0x1082;
	[sflag:s4] =	ssyncset.s32 $0xFFFFF086  }
0x25: {  	[simem:s6], [sflag:s4] =	dma.local [hbm:s3], $0xF7A  }
0x26: {  	[smem:$0x3FA0] =	sst s1;
	(tag) =	ssettag s2;
	_ =	strace s9  }
0x27: {  	s1 =	sld [smem:$0x3FB0]  }
0x28: {  	s2 =	sld [smem:$0x3FB1]  }
0x29: {  	s4 =	sld [smem:$0x3FB3]  }
0x2a: {  	p0 =	seq.s32 s5, $0x0;
	s5 =	sld [smem:$0x3FB4]  }
0x2b: {  	s6 =	sld [smem:$0x3FB5]  }
0x2c: {  	s7 =	sld [smem:$0x3FB6]  }
0x2d: {  	s3 =	simm.s32 $0x108;
	s8 =	sld [smem:$0x3FB7]  }
0x2e: {  	s3 =	simm.s32 @!p0 $0x1082;
	s9 =	sld [smem:$0x3FB8]  }
0x2f: {  	lr =	sadd.s32 s0, s3;
	s0 =	sld [smem:$0x3FAF]  }
0x30: {  	s3 =	sld [smem:$0x3FB2]  }
0x31: {  	[smem:$0x3FBB] =	sst s10  }
0x32: {  	s10 =	sld [smem:$0x3FB9];
	_ =	sdelay $0x3  }
0x33: {  	p0 =	seq.s32 s10, $0x1;
	s10 =	sld [smem:$0x3FBB];
	_ =	sdelay $0x3  }
0x34: {  	[smem:$0x3FBB] =	sst s10  }
0x35: {  	s10 =	sld [smem:$0x3FBA];
	_ =	sdelay $0x3  }
0x36: {  	p1 =	seq.s32 s10, $0x1;
	s10 =	sld [smem:$0x3FBB];
	_ =	sdelay $0x3  }
0x37: {  	[smem:$0x3FBB] =	sst s10  }
0x38: {  	s10 =	sld [smem:$0x3FBC]  }
0x39: {  	_ = 	snop;
	(pc) =	sbr.ind lr, $3  }
0x3a: {  	_ = 	snop  }
0x3b: {  	_ = 	snop  }
0x3c: {  	p2 =	seq.s32 s10, $0x1;
	s10 =	sld [smem:$0x3FBB]  }
0x3d: {  	_ =	shalt  }
0x3e: {  	_ =	shalt  }
0x3f: {  	_ =	shalt  }
0x40: {  	_ =	shalt  }
0x41: {  	_ =	shalt  }
0x42: {  	_ =	shalt  }
0x43: {  	_ =	shalt  }
0x44: {  	_ =	shalt  }
0x45: {  	_ =	shalt  }
0x46: {  	_ =	shalt  }
0x47: {  	_ =	shalt  }
0x48: {  	_ =	shalt  }
0x49: {  	_ =	shalt  }
0x4a: {  	_ =	shalt  }
0x4b: {  	_ =	shalt  }
0x4c: {  	_ =	shalt  }
0x4d: {  	_ =	shalt  }
0x4e: {  	_ =	shalt  }
0x4f: {  	_ =	shalt  }
0x50: {  	_ =	shalt  }
0x51: {  	_ =	shalt  }
0x52: {  	_ =	shalt  }
0x53: {  	_ =	shalt  }
0x54: {  	_ =	shalt  }
0x55: {  	_ =	shalt  }
0x56: {  	_ =	shalt  }
0x57: {  	_ =	shalt  }
0x58: {  	_ =	shalt  }
0x59: {  	_ =	shalt  }
0x5a: {  	_ =	shalt  }
0x5b: {  	_ =	shalt  }
0x5c: {  	_ =	shalt  }
0x5d: {  	_ =	shalt  }
0x5e: {  	_ =	shalt  }
0x5f: {  	_ =	shalt  }
0x60: {  	_ =	shalt  }
0x61: {  	_ =	shalt  }
0x62: {  	_ =	shalt  }
0x63: {  	_ =	shalt  }
0x64: {  	_ =	shalt  }
0x65: {  	_ =	shalt  }
0x66: {  	_ =	shalt  }
0x67: {  	_ =	shalt  }
0x68: {  	_ =	shalt  }
0x69: {  	_ =	shalt  }
0x6a: {  	_ =	shalt  }
0x6b: {  	_ =	shalt  }
0x6c: {  	_ =	shalt  }
0x6d: {  	_ =	shalt  }
0x6e: {  	_ =	shalt  }
0x6f: {  	_ =	shalt  }
0x70: {  	_ =	shalt  }
0x71: {  	_ =	shalt  }
0x72: {  	_ =	shalt  }
0x73: {  	_ =	shalt  }
0x74: {  	_ =	shalt  }
0x75: {  	_ =	shalt  }
0x76: {  	_ =	shalt  }
0x77: {  	_ =	shalt  }
0x78: {  	_ =	shalt  }
0x79: {  	_ =	shalt  }
0x7a: {  	_ =	shalt  }
0x7b: {  	_ =	shalt  }
0x7c: {  	_ =	shalt  }
0x7d: {  	_ =	shalt  }
0x7e: {  	_ =	shalt  }
0x7f: {  	_ =	shalt  }
0x80: {  	_ =	shalt  }
0x81: {  	_ =	shalt  }
0x82: {  	_ =	shalt  }
0x83: {  	_ =	shalt  }
0x84: {  	_ =	shalt  }
0x85: {  	_ =	shalt  }
0x86: {  	_ =	shalt  }
0x87: {  	_ =	shalt  }
.Lfunc_end0:
.L_simem_size_0:
called_computation_lowered:
.L_overlay_start_0:
0x88: {  	s0 =	sld [smem:$0x3FD9]  }
0x89: {  	s1 =	sld [smem:$0x3FFE];
	_ =	sdelay $0x3  }
0x8a: {  	s0 =	sadd.s32 s1, s0  }
0x8b: {  	[smem:$0x3FC7] =	sst s0  }
0x8c: {  	_ = 	snop  }
0x8d: {  	s0 =	sld [smem:$0x3FC9];
	(tm) =	ssettm $0x1  }
0x8e: {  	s16 =	sld [smem:$0x3FFB];
	_ =	sdelay $0x3  }
0x8f: {  	_ =	strace s16  }
0x90: {  	s1 =	sld [smem:$0x3FFC];
	_ =	sdelay $0x3  }
0x91: {  	_ =	strace s1  }
0x92: {  	s1 =	sld [smem:$0x3FFD];
	_ =	sdelay $0x3  }
0x93: {  	_ =	strace s1  }
0x94: {  	_ =	strace $0x8FFFFFFF  }
0x95: {  	s17 =	sld [smem:$0x3FDB];
	_ =	sdelay $0x1  }
0x96: {  	s2 =	simm.s32 $_scs_section_size  }
0x97: {  	s3 =	simm.s32 $_size__tile_overlayer_lowered;
	s4 =	simm.s32 $_tile_overlayer_lowered  }
0x98: {  	s20 =	simm.s32 $0x1BFF;
	s19 =	sshll.u32 s4, $0x1;
	s1 =	sadd.s32 s2, s17  }
0x99: {  	s5 =	simm.s32 $0x0;
	s18 =	sshll.u32 s3, $0x1;
	s3 =	sadd.s32 s19, s1  }
0x9a: {  	[timem:s5], [sflag:s20] =	dma.local [hbm:s3], s18  }
0x9b: {  	_ =	swait.ge [sflag:s20], s18  }
0x9c: {  	s2 =	ssub.s32 $0x0, s18;
	[sflag:s20] =	ssyncset.done $0x0  }
0x9d: {  	[sflag:s20] =	ssyncadd.s32 s2;
	_ =	sdelay $0x1  }
0x9e: {  	s21 =	simm.s32 $0x1B8B  }
0x9f: {  	_ =	swait.ge [sflag:s21], $0x1  }
0xa0: {  	[sflag:s21] =	ssyncset.done $0x0  }
0xa1: {  	s23 =	simm.s32 $0x1B8E;
	s22 =	sld [smem:$0x3FFE];
	[sflag:s21] =	ssyncadd.s32 $0xFFFFFFFF  }
0xa2: {  	s24 =	simm.s32 $execute0_lowered;
	[smem:$0x3FD2] =	sst s23  }
0xa3: {  	s3 =	sshll.u32 s24, $0x1;
	_ =	strace $0x80000046;
	[dreg:$0x1] =	wrdreg $0xFFFFFFFF  }
0xa4: {  	s25 =	simm.s32 $_size_execute0_lowered;
	s1 =	sadd.s32 s1, s3;
	[dreg:$0x0] =	wrdreg $0x0  }
0xa5: {  	s3 =	sshll.u32 s25, $0x1;
	[dreg:$0x2] =	wrdreg s1  }
0xa6: {  	[dreg:$0x3] =	wrdreg s3  }
0xa7: {  	[dreg:$0x4] =	wrdreg $0xC0  }
0xa8: {  	_ =	task [dreg:s5], $0x5FFFF  }
0xa9: {  	[dreg:$0x1] =	wrdreg $0xFFFFFFFF  }
0xaa: {  	[dreg:$0x0] =	wrdreg $0x60  }
0xab: {  	[dreg:$0x2] =	wrdreg s0  }
0xac: {  	[dreg:$0x3] =	wrdreg s22  }
0xad: {  	[dreg:$0x4] =	wrdreg $0x9  }
0xae: {  	_ =	task.clear_ibuf [dreg:s5], $0x5FFFF;
	_ =	strace $0x90000046  }
0xaf: {  	s26 =	simm.s32 $0x9;
	_ =	strace $0x80000048  }
0xb0: {  	_ =	swait.ge [sflag:s26], $0x1  }
0xb1: {  	[sflag:s26] =	ssyncadd.s32 $0xFFFFFFFF  }
0xb2: {  	_ =	strace $0x90000048  }
0xb3: {  	_ =	sfence  }
0xb4: {  	s28 =	sld [smem:$0x0];
	_ =	sdelay $0x1  }
0xb5: {  	s29 =	srdreg.scid  }
0xb6: {  	s30 =	sshll.u32 s29, $0xD;
	s31 =	sshrl.u32 s29, $0x2  }
0xb7: {  	s2 =	sand.u32 $0x4000, s30;
	s1 =	sand.u32 $0x1, s29;
	s0 =	sadd.s32 s31, s28  }
0xb8: {  	s1 =	sor.u32 s2, s1;
	s0 =	sshll.u32 s0, $0x11  }
0xb9: {  	s0 =	sor.u32 s0, s1  }
0xba: {  	s0 =	sadd.s32 $0x8F2B, s0  }
0xbb: {  	[sflag:s0] =	ssyncadd.remote.s32 $0x1  }
0xbc: {  	_ =	sfence.sel $0xFFFF  }
0xbd: {  	[dreg:$0x0] =	wrdreg $0xFFFFFFFF;
	(pc) =	sbr.abs _section_cstart, $3  }
0xbe: {  	[dreg:$0x1] =	wrdreg $0xFFFFFFFF  }
0xbf: {  	_ =	task.clear_ibuf [dreg:s5], $0x2FFFF;
	_ =	strace $0x9FFFFFFF  }
0xc0: {  	(tm) =	ssettm $0x7FFFFFFF  }
0xc1: {  	_ =	shalt  }
tec
execute0_lowered:
.L_overlay_start_1:
0x0: {  	(tag) =	ssettag $0x1  }
0x1: {  	s1 =	stileid.u32  }
0x2: {  	p0 =	sgt.u32 s1, $0x7  }
.Ltmp0:
0x3: {  	_ = 	snop;
	(pc) =	sbr.rel @p0 .LBB2_6-.Ltmp0, $4  }
0x4: {  	s3 =	rddreg [dreg:$0x0]  }
0x5: {  	s2 =	rddreg [dreg:$0x1];
	s4 =	simm.s32 $0x0  }
0x6: {  	[smem:$0x7FF] =	sst s4  }
0x7: {  	s0 =	rddreg [dreg:$0x2];
	_ =	strace $0x80000047  }
0x8: {  	[tilespmem:s4], [sflag:$0x1] =	stream.linear.gather [hbm4b:s3+s4], $0x2000, $0x38;
	[tilespmem:$0x3000] =	vst v63  }
0x9: {  	s3 =	simm.s32 $0x2040;
	v1 =	vimm.s32 $0x0  }
0xa: {  	[tilespmem:s3+$0xFFFFFFC0] =	vst v1  }
0xb: {  	[tilespmem:s3+$0x30] =	vst v1  }
0xc: {  	[tilespmem:s3+$0x20] =	vst v1  }
0xd: {  	s31 =	sshll.u32 s1, $0x3;
	[tilespmem:s3+$0x10] =	vst v1  }
0xe: {  	s2 =	sadd.s32 $0x400, s2;
	s5 =	sshll.u32 s1, $0xB;
	s4 =	sand.u32 $0x30, s31;
	[tilespmem:s3+$0x0] =	vst v1  }
0xf: {  	s6 =	sshll.u32 s1, $0xC;
	s5 =	sand.u32 $0x800, s5;
	[tilespmem:s3+$0xFFFFFFF0] =	vst v1;
	s2 =	sadd.s32 s2, s4  }
0x10: {  	v0 =	vmov s6;
	[tilespmem:s3+$0xFFFFFFE0] =	vst v1;
	s4 =	simm.s32 $0x0;
	s2 =	sadd.s32 s5, s2  }
.LBB2_2:
0x11: {  	s4 =	sadd.s32 $0x8, s4;
	[tilespmem:s3+$0xFFFFFFD0] =	vst v1;
	s3 =	sadd.s32 $0x80, s3  }
0x12: {  	[tilespmem:s3+$0xFFFFFFC0] =	vst v1;
	p0 =	slt.u32 s4, $0xF8  }
0x13: {  	[tilespmem:s3+$0x30] =	vst v1  }
.Ltmp1:
0x14: {  	[tilespmem:s3+$0x20] =	vst v1;
	(pc) =	sbr.rel @p0 .LBB2_2-.Ltmp1, $4  }
0x15: {  	[tilespmem:s3+$0x10] =	vst v1  }
0x16: {  	[tilespmem:s3+$0x0] =	vst v1  }
0x17: {  	[tilespmem:s3+$0xFFFFFFF0] =	vst v1  }
0x18: {  	[tilespmem:s3+$0xFFFFFFE0] =	vst v1  }
0x19: {  	[tilespmem:s3+$0xFFFFFFD0] =	vst v1;
	s30 =	simm.s32 $0x1  }
0x1a: {  	_ =	swait.ge [sflag:s30], $0x2000  }
0x1b: {  	[sflag:s30] =	ssyncset.done $0x0  }
0x1c: {  	s31 =	simm.s32 $0x40;
	[sflag:s30] =	ssyncadd.s32 $0xFFFFE000  }
0x1d: {  	v2 =	vld [tilespmem:s31+$0x30]  }
0x1e: {  	v3 =	vld [tilespmem:s31+$0xFFFFFFD0]  }
0x1f: {  	v4 =	vld [tilespmem:s31+$0xFFFFFFE0]  }
0x20: {  	v5 =	vld [tilespmem:s31+$0xFFFFFFF0]  }
0x21: {  	v6 =	vld [tilespmem:s31+$0x0]  }
0x22: {  	v7 =	vld [tilespmem:s31+$0x10]  }
0x23: {  	v1 =	vimm.s32 $0x1;
	s5 =	simm.s32 $0xC0;
	v11 =	vld [tilespmem:s31+$0x20];
	v8 =	vsub.s32 v2, v0  }
0x24: {  	v13 =	vld [tilespmem:s5+$0x30];
	v9 =	vsub.s32 v3, v0;
	v3 =	vand.u32 $0xFFF, v3;
	vm2 =	vlt.u32 v8, $0x1000  }
0x25: {  	v12 =	vand.u32 $0xFFF, v2;
	v2 =	vsub.s32 v5, v0;
	v8 =	vld [tilespmem:s31+$0xFFFFFFC0];
	vm4 =	vlt.u32 v9, $0x1000  }
0x26: {  	v14 =	vand.u32 $0xFFF, v4;
	v9 =	vsub.s32 v4, v0;
	vm6 =	vlt.u32 v2, $0x1000  }
0x27: {  	v15 =	vand.u32 $0xFFF, v5;
	v4 =	vld [tilespmem:s5+$0xFFFFFFD0];
	v2 =	vsub.s32 v6, v0;
	vm5 =	vlt.u32 v9, $0x1000  }
0x28: {  	v5 =	vld [tilespmem:s5+$0xFFFFFFE0];
	v10 =	vand.u32 $0xFFF, v7;
	vm0 =	vlt.u32 v2, $0x1000;
	v2 =	vsub.s32 v7, v0  }
0x29: {  	s3 =	simm.s32 $0x2000;
	v16 =	vsub.s32 v11, v0;
	v9 =	vand.u32 $0xFFF, v6;
	v6 =	vld [tilespmem:s5+$0xFFFFFFF0];
	vm1 =	vlt.u32 v2, $0x1000  }
0x2a: {  	v62 =	vsub.s32 v13, v0;
	vm3 =	vlt.u32 v16, $0x1000;
	v7 =	vld [tilespmem:s5+$0x0];
	v17 =	vsub.s32 v8, v0;
	[tilespmem:v12+s3+$0x0] =	vst.idx.msk vm2, v1  }
0x2b: {  	v2 =	vand.u32 $0xFFF, v8;
	v8 =	vld [tilespmem:s5+$0x10];
	vm2 =	vlt.u32 v17, $0x1000;
	[tilespmem:v3+s3+$0x0] =	vst.idx.msk vm4, v1;
	v12 =	vand.u32 $0xFFF, v11  }
0x2c: {  	v13 =	vand.u32 $0xFFF, v13;
	v63 =	vsub.s32 v4, v0;
	v3 =	vld [tilespmem:s5+$0x20];
	vm4 =	vlt.u32 v62, $0x1000;
	[tilespmem:v15+s3+$0x0] =	vst.idx.msk vm6, v1  }
0x2d: {  	s4 =	simm.s32 $0x8;
	v4 =	vand.u32 $0xFFF, v4;
	v11 =	vld [tilespmem:s5+$0xFFFFFFC0];
	s5 =	simm.s32 $0x140;
	[tilespmem:v14+s3+$0x0] =	vst.idx.msk vm5, v1;
	vm5 =	vlt.u32 v63, $0x1000;
	v14 =	vsub.s32 v5, v0  }
.LBB2_4:
0x2e: {  	v15 =	vld [tilespmem:s5+$0x30];
	s4 =	sadd.s32 $0x8, s4;
	vm6 =	vlt.u32 v14, $0x1000;
	v14 =	vand.u32 $0xFFF, v5;
	v5 =	vsub.s32 v6, v0;
	[tilespmem:v9+s3+$0x0] =	vst.idx.msk vm0, v1  }
0x2f: {  	v17 =	vand.u32 $0xFFF, v6;
	v16 =	vld [tilespmem:s5+$0xFFFFFFD0];
	p0 =	slt.u32 s4, $0x1F8;
	vm7 =	vlt.u32 v5, $0x1000;
	v6 =	vsub.s32 v7, v0;
	[tilespmem:v10+s3+$0x0] =	vst.idx.msk vm1, v1  }
0x30: {  	v9 =	vand.u32 $0xFFF, v7;
	v5 =	vld [tilespmem:s5+$0xFFFFFFE0];
	vm0 =	vlt.u32 v6, $0x1000;
	v7 =	vsub.s32 v8, v0;
	[tilespmem:v12+s3+$0x0] =	vst.idx.msk vm3, v1  }
.Ltmp2:
0x31: {  	v10 =	vand.u32 $0xFFF, v8;
	v6 =	vld [tilespmem:s5+$0xFFFFFFF0];
	vm1 =	vlt.u32 v7, $0x1000;
	v8 =	vsub.s32 v3, v0;
	[tilespmem:v2+s3+$0x0] =	vst.idx.msk vm2, v1;
	(pc) =	sbr.rel @p0 .LBB2_4-.Ltmp2, $4  }
0x32: {  	v7 =	vld [tilespmem:s5+$0x0];
	v12 =	vsub.s32 v11, v0;
	v2 =	vand.u32 $0xFFF, v11;
	vm3 =	vlt.u32 v8, $0x1000;
	[tilespmem:v13+s3+$0x0] =	vst.idx.msk vm4, v1  }
0x33: {  	v8 =	vld [tilespmem:s5+$0x10];
	v11 =	vsub.s32 v15, v0;
	vm2 =	vlt.u32 v12, $0x1000;
	[tilespmem:v4+s3+$0x0] =	vst.idx.msk vm5, v1;
	v12 =	vand.u32 $0xFFF, v3  }
0x34: {  	v13 =	vsub.s32 v16, v0;
	v4 =	vand.u32 $0xFFF, v16;
	v3 =	vld [tilespmem:s5+$0x20];
	vm4 =	vlt.u32 v11, $0x1000;
	[tilespmem:v14+s3+$0x0] =	vst.idx.msk vm6, v1  }
0x35: {  	v11 =	vld [tilespmem:s5+$0xFFFFFFC0];
	vm5 =	vlt.u32 v13, $0x1000;
	v14 =	vsub.s32 v5, v0;
	v13 =	vand.u32 $0xFFF, v15;
	s5 =	sadd.s32 $0x80, s5;
	[tilespmem:v17+s3+$0x0] =	vst.idx.msk vm7, v1  }
0x36: {  	_ =	sdelay $0x4  }
0x37: {  	vm6 =	vlt.u32 v14, $0x1000;
	v54 =	vsub.s32 v6, v0;
	[tilespmem:v9+s3+$0x0] =	vst.idx.msk vm0, v1  }
0x38: {  	v5 =	vand.u32 $0xFFF, v5;
	[tilespmem:v10+s3+$0x0] =	vst.idx.msk vm1, v1;
	vm11 =	vlt.u32 v54, $0x1000;
	v55 =	vsub.s32 v7, v0  }
0x39: {  	v56 =	vand.u32 $0xFFF, v6;
	[tilespmem:v12+s3+$0x0] =	vst.idx.msk vm3, v1;
	vm12 =	vlt.u32 v55, $0x1000;
	v57 =	vsub.s32 v8, v0  }
0x3a: {  	[tilespmem:v2+s3+$0x0] =	vst.idx.msk vm2, v1;
	v58 =	vand.u32 $0xFFF, v7;
	vm13 =	vlt.u32 v57, $0x1000;
	v59 =	vsub.s32 v3, v0  }
0x3b: {  	[tilespmem:v13+s3+$0x0] =	vst.idx.msk vm4, v1;
	v60 =	vand.u32 $0xFFF, v8;
	v61 =	vsub.s32 v11, v0;
	vm14 =	vlt.u32 v59, $0x1000  }
0x3c: {  	[tilespmem:v4+s3+$0x0] =	vst.idx.msk vm5, v1;
	v62 =	vand.u32 $0xFFF, v3;
	vm15 =	vlt.u32 v61, $0x1000  }
0x3d: {  	v63 =	vand.u32 $0xFFF, v11;
	[tilespmem:v5+s3+$0x0] =	vst.idx.msk vm6, v1  }
0x3e: {  	[tilespmem:v56+s3+$0x0] =	vst.idx.msk vm11, v1  }
0x3f: {  	[tilespmem:v58+s3+$0x0] =	vst.idx.msk vm12, v1  }
0x40: {  	[tilespmem:v60+s3+$0x0] =	vst.idx.msk vm13, v1  }
0x41: {  	s30 =	simm.s32 $0x80;
	[tilespmem:v62+s3+$0x0] =	vst.idx.msk vm14, v1  }
0x42: {  	s4 =	simm.s32 $0x200;
	s5 =	simm.s32 $0x2000;
	s31 =	simm.s32 $0x2;
	[tilespmem:v63+s3+$0x0] =	vst.idx.msk vm15, v1  }
0x43: {  	[hbm4b:s2+s30] =	stream.strided.scatter [tilespmem:s5], [sflag:$0x2], $0x1000, s4, s30, $0x38;
	[tilespmem:$0x3000] =	vst v63  }
0x44: {  	_ =	swait.ge [sflag:s31], $0x1000  }
0x45: {  	[sflag:s31] =	ssyncset.done $0x0  }
0x46: {  	[sflag:s31] =	ssyncadd.s32 $0xFFFFF000  }
.LBB2_6:
0x47: {  	_ =	sfence.sel $0x180000  }
0x48: {  	[bflag:$0x0] =	sbarrier.arrive $0xFFFF  }
0x49: {  	p0 =	sne.s32 s1, $0x0;
	_ =	strace $0x90000047  }
0x4a: {  	s0 =	sadd.s32 @!p0 $0x100000, s0;
	[bflag:$0x2] =	sbarrier.arrive $0xFFFF  }
0x4b: {  	[sflag:s0] =	ssyncadd.tile.s32 @!p0 $0x1;
	_ =	shalt  }
.Lfunc_end2:
_tile_overlayer_lowered:
.L_overlay_start_2:
0x4c: {  	(tag) =	ssettag $0x2  }
0x4d: {  	s0 =	rddreg [dreg:$0x0];
	s2 =	stileid.u32  }
0x4e: {  	s1 =	rddreg [dreg:$0x1];
	p0 =	sne.s32 s2, $0x0  }
0x4f: {  	s3 =	rddreg [dreg:$0x2];
	[bflag:$0x3] =	sbarrier.arrive $0xFFFF;
	s2 =	simm.s32 @!p0 $0x1C02  }
0x50: {  	[timem:s3], [sflag:s2] =	dma.local @!p0 [hbm:s0], s1  }
0x51: {  	s0 =	simm.s32 @!p0 $0x2  }
0x52: {  	_ =	swait.ge @!p0 [sflag:s0], s1  }
0x53: {  	s1 =	ssub.s32 @!p0 $0x0, s1;
	[sflag:s0] =	ssyncset.done @!p0 $0x0  }
0x54: {  	[sflag:s0] =	ssyncadd.s32 @!p0 s1  }
0x55: {  	[bflag:$0x3] =	sbarrier.arrive $0xFFFF  }
0x56: {  	_ =	shalt  }

</sc_bundles>
